<compile_context>
chip_gen: v7x
topology: tpu7x:2x2x1
jax: 0.10.2.dev20260603
libtpu: 0.0.44.dev20260713+nightly
codegen_flags: <defaults>
</compile_context>

<pallas_src>
import jax
import jax.numpy as jnp
from jax import lax
from jax.experimental import pallas as pl
from jax.experimental.pallas import tpu as pltpu
from jax.experimental.pallas import tpu_sc as plsc

N_NODES = 10000
N_EDGES = 320000
D = 128

NUM_CORES = 2
NUM_SUBCORES = 16
NW = NUM_CORES * NUM_SUBCORES
B_PER_W = N_EDGES // NW
CHUNK = 80
N_FULL = B_PER_W // CHUNK
NBUF = 2


def _gather_kernel(x_hbm, idx_hbm, out_hbm, x_spm, idx_v, buf0, buf1,
                   gsem0, gsem1, wsem0, wsem1):
    bufs = (buf0, buf1)
    gsems = (gsem0, gsem1)
    wsems = (wsem0, wsem1)

    sid = lax.axis_index("s")
    wid = sid * NUM_CORES + lax.axis_index("c")
    base = wid * B_PER_W

    @pl.when(sid < 2)
    def _():
        pltpu.sync_copy(x_hbm.at[pl.ds(sid * 5000, 5000)],
                        x_spm.at[pl.ds(sid * 5000, 5000)])

    pltpu.sync_copy(idx_hbm.at[pl.ds(base, B_PER_W)], idx_v)
    plsc.subcore_barrier()

    def start_gather(g, b):
        pltpu.async_copy(
            x_spm.at[idx_v.at[pl.ds(g * CHUNK, CHUNK)]], bufs[b], gsems[b])

    def wait_gather(b):
        pltpu.make_async_copy(
            x_spm.at[idx_v.at[pl.ds(0, CHUNK)]], bufs[b], gsems[b]).wait()

    def start_write(g, b):
        pltpu.async_copy(
            bufs[b], out_hbm.at[pl.ds(base + g * CHUNK, CHUNK)], wsems[b])

    def wait_write(b):
        pltpu.make_async_copy(
            bufs[b], out_hbm.at[pl.ds(base, CHUNK)], wsems[b]).wait()

    start_gather(0, 0)

    def body(j, carry):
        for b in range(NBUF):
            g = j * 2 + b
            bn = (b + 1) % NBUF

            @pl.when(g + 1 < N_FULL)
            def _():
                @pl.when(g >= 1)
                def _():
                    wait_write(bn)
                start_gather(g + 1, bn)

            wait_gather(b)
            start_write(g, b)
        return carry

    lax.fori_loop(0, N_FULL // 2, body, 0)
    g_last = N_FULL - 1
    wait_gather(g_last % 2)
    start_write(g_last, g_last % 2)
    wait_write(1)
    wait_write(0)


@jax.jit
def _gather(x, idx):
    mesh = plsc.VectorSubcoreMesh(core_axis_name="c", subcore_axis_name="s")
    return pl.kernel(
        _gather_kernel,
        out_type=jax.ShapeDtypeStruct((N_EDGES, D), jnp.float32),
        mesh=mesh,
        scratch_types=[
            pltpu.VMEM_SHARED((N_NODES, D), jnp.float32),
            pltpu.VMEM((B_PER_W,), jnp.int32),
            pltpu.VMEM((CHUNK, D), jnp.float32),
            pltpu.VMEM((CHUNK, D), jnp.float32),
            pltpu.SemaphoreType.DMA,
            pltpu.SemaphoreType.DMA,
            pltpu.SemaphoreType.DMA,
            pltpu.SemaphoreType.DMA,
        ],
    )(x, idx)


def kernel(x, edge_index):
    return _gather(x, edge_index.astype(jnp.int32).reshape(-1))

# --- scband reference (transcript-rebuilt; emitter-appended) ---
"""Pipeline reference for scband-sagestage1-gather-47596827574311 (READ-ONLY COPY).

The authoritative reference and input builder live on the scoring server;
editing this copy changes nothing except your own understanding.
"""

import jax, jax.numpy as jnp
import numpy as np

def setup_inputs(seed: int = 0) -> dict:
    key = jax.random.key(seed)
    k1, k2 = jax.random.split(key)
    x = jax.random.normal(k1, (10000, 128), dtype=jnp.float32)
    edge_index = jax.random.randint(k2, (2, 320000), 0, 10000, dtype=jnp.int64)
    return {"x": x, "edge_index": edge_index}

def reference(x, edge_index):
    # Stage 1 GATHER: gather source-node features for every edge
    return jnp.take(x, edge_index[0], axis=0)

if __name__ == "__main__":
    import jax
    _d = setup_inputs()
    print(jax.jit(kernel)(*tuple(_d.values())))

</pallas_src>

<mosaic_0001>
#map = affine_map<(d0, d1) -> (0, 0)>
#map1 = affine_map<(d0, d1) -> (0)>
module attributes {stable_mosaic.version = 14 : i64} {
  func.func @_gather_kernel(%arg0: i32, %arg1: i32, %arg2: memref<10000x128xf32, #tpu.memory_space<hbm>>, %arg3: memref<640000xi32, #tpu.memory_space<hbm>>, %arg4: memref<320000x128xf32, #tpu.memory_space<hbm>>, %arg5: memref<10000x128xf32, #tpu.memory_space<vmem_shared>>, %arg6: memref<10000xi32, #tpu.memory_space<vmem>>, %arg7: memref<80x128xf32, #tpu.memory_space<vmem>>, %arg8: memref<80x128xf32, #tpu.memory_space<vmem>>, %arg9: memref<!tpu.dma_semaphore, #tpu.memory_space<semaphore_mem>>, %arg10: memref<!tpu.dma_semaphore, #tpu.memory_space<semaphore_mem>>, %arg11: memref<!tpu.dma_semaphore, #tpu.memory_space<semaphore_mem>>, %arg12: memref<!tpu.dma_semaphore, #tpu.memory_space<semaphore_mem>>) attributes {dimension_semantics = [#tpu.dimension_semantics<core_parallel>, #tpu.dimension_semantics<subcore_parallel>], iteration_bounds = array<i64: 2, 16>, scalar_prefetch = 0 : i64, scratch_operands = 8 : i64, tpu.core_type = #tpu.core_type<sc_vector_subcore>, window_params = [{transform_indices = #map}, {transform_indices = #map1}, {transform_indices = #map}]} {
    %mul3A = arith.constant 2 : i32
    %mul3A_0 = arith.muli %arg1, %mul3A : i32
    %add3A = arith.addi %mul3A_0, %arg0 : i32
    %mul3A_1 = arith.constant 10000 : i32
    %mul3A_2 = arith.muli %add3A, %mul3A_1 : i32
    %lt3A = arith.constant 2 : i32
    %lt3A_3 = arith.cmpi slt, %arg1, %lt3A : i32
    %convert_element_type3A = arith.extui %lt3A_3 : i1 to i32
    %cond3A = arith.constant 0 : i32
    %cond3A_4 = arith.cmpi ne, %convert_element_type3A, %cond3A : i32
    scf.if %cond3A_4 {
      %mul3A_32 = arith.constant 5000 : i32
      %mul3A_33 = arith.muli %arg1, %mul3A_32 : i32
      %mul3A_34 = arith.constant 5000 : i32
      %mul3A_35 = arith.muli %arg1, %mul3A_34 : i32
      "tpu.region"() ({
        %run_scoped3A = tpu.sem_alloc : memref<!tpu.dma_semaphore, #tpu.memory_space<semaphore_mem>>
        %dma_start3A_36 = arith.constant 0 : i32
        %dma_start3A_37 = tpu.memref_slice %arg5[%mul3A_35, %dma_start3A_36] : memref<10000x128xf32, #tpu.memory_space<vmem_shared>> -> memref<5000x128xf32, #tpu.memory_space<vmem_shared>>
        %dma_start3A_38 = arith.constant 0 : i32
        %dma_start3A_39 = tpu.memref_slice %arg2[%mul3A_33, %dma_start3A_38] : memref<10000x128xf32, #tpu.memory_space<hbm>> -> memref<5000x128xf32, #tpu.memory_space<hbm>>
        tpu.enqueue_dma source(%dma_start3A_39 : memref<5000x128xf32, #tpu.memory_space<hbm>>) target(%dma_start3A_37 : memref<5000x128xf32, #tpu.memory_space<vmem_shared>>) target_semaphore(%run_scoped3A : memref<!tpu.dma_semaphore, #tpu.memory_space<semaphore_mem>>)
        %dma_wait3A_40 = arith.constant 0 : i32
        %dma_wait3A_41 = tpu.memref_slice %arg5[%mul3A_35, %dma_wait3A_40] : memref<10000x128xf32, #tpu.memory_space<vmem_shared>> -> memref<5000x128xf32, #tpu.memory_space<vmem_shared>>
        %dma_wait3A_42 = arith.constant 0 : i32
        %dma_wait3A_43 = tpu.memref_slice %arg2[%mul3A_33, %dma_wait3A_42] : memref<10000x128xf32, #tpu.memory_space<hbm>> -> memref<5000x128xf32, #tpu.memory_space<hbm>>
        tpu.wait_dma2 semaphore(%run_scoped3A : memref<!tpu.dma_semaphore, #tpu.memory_space<semaphore_mem>>) src(%dma_wait3A_43 : memref<5000x128xf32, #tpu.memory_space<hbm>>) dst(%dma_wait3A_41 : memref<5000x128xf32, #tpu.memory_space<vmem_shared>>)
        tpu.yield
      }) : () -> ()
    } else {
    }
    "tpu.region"() ({
      %run_scoped3A = tpu.sem_alloc : memref<!tpu.dma_semaphore, #tpu.memory_space<semaphore_mem>>
      %dma_start3A_32 = tpu.memref_slice %arg3[%mul3A_2] : memref<640000xi32, #tpu.memory_space<hbm>> -> memref<10000xi32, #tpu.memory_space<hbm>>
      %dma_start3A_33 = tpu.memref_slice %arg3[%mul3A_2] : memref<640000xi32, #tpu.memory_space<hbm>> -> memref<10000xi32, #tpu.memory_space<hbm>>
      tpu.enqueue_dma source(%dma_start3A_33 : memref<10000xi32, #tpu.memory_space<hbm>>) target(%arg6 : memref<10000xi32, #tpu.memory_space<vmem>>) target_semaphore(%run_scoped3A : memref<!tpu.dma_semaphore, #tpu.memory_space<semaphore_mem>>)
      %dma_wait3A_34 = tpu.memref_slice %arg3[%mul3A_2] : memref<640000xi32, #tpu.memory_space<hbm>> -> memref<10000xi32, #tpu.memory_space<hbm>>
      %dma_wait3A_35 = tpu.memref_slice %arg3[%mul3A_2] : memref<640000xi32, #tpu.memory_space<hbm>> -> memref<10000xi32, #tpu.memory_space<hbm>>
      tpu.wait_dma2 semaphore(%run_scoped3A : memref<!tpu.dma_semaphore, #tpu.memory_space<semaphore_mem>>) src(%dma_wait3A_35 : memref<10000xi32, #tpu.memory_space<hbm>>) dst(%arg6 : memref<10000xi32, #tpu.memory_space<vmem>>)
      tpu.yield
    }) : () -> ()
    %barrier3A = arith.constant 0 : index
    tpu.barrier barrier_id(%barrier3A)
    %dma_start3A = arith.constant 0 : i32
    %dma_start3A_5 = tpu.memref_slice %arg6[%dma_start3A] : memref<10000xi32, #tpu.memory_space<vmem>> -> memref<80xi32, #tpu.memory_space<vmem>>
    %dma_start3A_6 = arith.constant 0 : i32
    %dma_start3A_7 = arith.constant 0 : i32
    %dma_start3A_8 = tpu.memref_slice %arg5[%dma_start3A_6, %dma_start3A_7] : memref<10000x128xf32, #tpu.memory_space<vmem_shared>> -> memref<10000x128xf32, #tpu.memory_space<vmem_shared>>
    tpu.enqueue_indirect_dma source(%dma_start3A_8 : memref<10000x128xf32, #tpu.memory_space<vmem_shared>>) target(%arg7 : memref<80x128xf32, #tpu.memory_space<vmem>>) offsets(%dma_start3A_5 : memref<80xi32, #tpu.memory_space<vmem>>) semaphore(%arg9 : memref<!tpu.dma_semaphore, #tpu.memory_space<semaphore_mem>>)
    %scan3A = arith.constant 0 : i32
    %scan3A_9 = arith.constant 0 : i32
    %scan3A_10 = arith.constant 62 : i32
    %scan3A_11 = arith.addi %scan3A_9, %scan3A_10 : i32
    %scan3A_12 = arith.constant 1 : i32
    scf.for %scan3A_32 = %scan3A_9 to %scan3A_11 step %scan3A_12  : i32 {
      %mul3A_33 = arith.constant 2 : i32
      %mul3A_34 = arith.muli %scan3A_32, %mul3A_33 : i32
      %add3A_35 = arith.constant 0 : i32
      %add3A_36 = arith.addi %mul3A_34, %add3A_35 : i32
      %add3A_37 = arith.constant 1 : i32
      %add3A_38 = arith.addi %add3A_36, %add3A_37 : i32
      %lt3A_39 = arith.constant 125 : i32
      %lt3A_40 = arith.cmpi slt, %add3A_38, %lt3A_39 : i32
      %convert_element_type3A_41 = arith.extui %lt3A_40 : i1 to i32
      %cond3A_42 = arith.constant 0 : i32
      %cond3A_43 = arith.cmpi ne, %convert_element_type3A_41, %cond3A_42 : i32
      scf.if %cond3A_43 {
        %ge3A = arith.constant 1 : i32
        %ge3A_79 = arith.cmpi sge, %add3A_36, %ge3A : i32
        %convert_element_type3A_80 = arith.extui %ge3A_79 : i1 to i32
        %cond3A_81 = arith.constant 0 : i32
        %cond3A_82 = arith.cmpi ne, %convert_element_type3A_80, %cond3A_81 : i32
        scf.if %cond3A_82 {
          %dma_wait3A_91 = arith.constant 0 : i32
          %dma_wait3A_92 = tpu.memref_slice %arg4[%mul3A_2, %dma_wait3A_91] : memref<320000x128xf32, #tpu.memory_space<hbm>> -> memref<80x128xf32, #tpu.memory_space<hbm>>
          %dma_wait3A_93 = arith.constant 0 : i32
          %dma_wait3A_94 = tpu.memref_slice %arg4[%mul3A_2, %dma_wait3A_93] : memref<320000x128xf32, #tpu.memory_space<hbm>> -> memref<80x128xf32, #tpu.memory_space<hbm>>
          tpu.wait_dma2 semaphore(%arg12 : memref<!tpu.dma_semaphore, #tpu.memory_space<semaphore_mem>>) src(%arg8 : memref<80x128xf32, #tpu.memory_space<vmem>>) dst(%dma_wait3A_94 : memref<80x128xf32, #tpu.memory_space<hbm>>)
        } else {
        }
        %add3A_83 = arith.constant 1 : i32
        %add3A_84 = arith.addi %add3A_36, %add3A_83 : i32
        %mul3A_85 = arith.constant 80 : i32
        %mul3A_86 = arith.muli %add3A_84, %mul3A_85 : i32
        %dma_start3A_87 = tpu.memref_slice %arg6[%mul3A_86] : memref<10000xi32, #tpu.memory_space<vmem>> -> memref<80xi32, #tpu.memory_space<vmem>>
        %dma_start3A_88 = arith.constant 0 : i32
        %dma_start3A_89 = arith.constant 0 : i32
        %dma_start3A_90 = tpu.memref_slice %arg5[%dma_start3A_88, %dma_start3A_89] : memref<10000x128xf32, #tpu.memory_space<vmem_shared>> -> memref<10000x128xf32, #tpu.memory_space<vmem_shared>>
        tpu.enqueue_indirect_dma source(%dma_start3A_90 : memref<10000x128xf32, #tpu.memory_space<vmem_shared>>) target(%arg8 : memref<80x128xf32, #tpu.memory_space<vmem>>) offsets(%dma_start3A_87 : memref<80xi32, #tpu.memory_space<vmem>>) semaphore(%arg10 : memref<!tpu.dma_semaphore, #tpu.memory_space<semaphore_mem>>)
      } else {
      }
      %dma_wait3A_44 = arith.constant 0 : i32
      %dma_wait3A_45 = tpu.memref_slice %arg6[%dma_wait3A_44] : memref<10000xi32, #tpu.memory_space<vmem>> -> memref<80xi32, #tpu.memory_space<vmem>>
      %dma_wait3A_46 = arith.constant 0 : i32
      %dma_wait3A_47 = arith.constant 0 : i32
      %dma_wait3A_48 = tpu.memref_slice %arg5[%dma_wait3A_46, %dma_wait3A_47] : memref<10000x128xf32, #tpu.memory_space<vmem_shared>> -> memref<10000x128xf32, #tpu.memory_space<vmem_shared>>
      tpu.wait_indirect_dma semaphore(%arg9 : memref<!tpu.dma_semaphore, #tpu.memory_space<semaphore_mem>>) src(%dma_wait3A_48 : memref<10000x128xf32, #tpu.memory_space<vmem_shared>>) dst(%arg7 : memref<80x128xf32, #tpu.memory_space<vmem>>)
      %mul3A_49 = arith.constant 80 : i32
      %mul3A_50 = arith.muli %add3A_36, %mul3A_49 : i32
      %add3A_51 = arith.addi %mul3A_2, %mul3A_50 : i32
      %dma_start3A_52 = arith.constant 0 : i32
      %dma_start3A_53 = tpu.memref_slice %arg4[%add3A_51, %dma_start3A_52] : memref<320000x128xf32, #tpu.memory_space<hbm>> -> memref<80x128xf32, #tpu.memory_space<hbm>>
      %dma_start3A_54 = arith.constant 0 : i32
      %dma_start3A_55 = tpu.memref_slice %arg4[%add3A_51, %dma_start3A_54] : memref<320000x128xf32, #tpu.memory_space<hbm>> -> memref<80x128xf32, #tpu.memory_space<hbm>>
      tpu.enqueue_dma source(%arg7 : memref<80x128xf32, #tpu.memory_space<vmem>>) target(%dma_start3A_55 : memref<80x128xf32, #tpu.memory_space<hbm>>) target_semaphore(%arg11 : memref<!tpu.dma_semaphore, #tpu.memory_space<semaphore_mem>>)
      %mul3A_56 = arith.constant 2 : i32
      %mul3A_57 = arith.muli %scan3A_32, %mul3A_56 : i32
      %add3A_58 = arith.constant 1 : i32
      %add3A_59 = arith.addi %mul3A_57, %add3A_58 : i32
      %add3A_60 = arith.constant 1 : i32
      %add3A_61 = arith.addi %add3A_59, %add3A_60 : i32
      %lt3A_62 = arith.constant 125 : i32
      %lt3A_63 = arith.cmpi slt, %add3A_61, %lt3A_62 : i32
      %convert_element_type3A_64 = arith.extui %lt3A_63 : i1 to i32
      %cond3A_65 = arith.constant 0 : i32
      %cond3A_66 = arith.cmpi ne, %convert_element_type3A_64, %cond3A_65 : i32
      scf.if %cond3A_66 {
        %ge3A = arith.constant 1 : i32
        %ge3A_79 = arith.cmpi sge, %add3A_59, %ge3A : i32
        %convert_element_type3A_80 = arith.extui %ge3A_79 : i1 to i32
        %cond3A_81 = arith.constant 0 : i32
        %cond3A_82 = arith.cmpi ne, %convert_element_type3A_80, %cond3A_81 : i32
        scf.if %cond3A_82 {
          %dma_wait3A_91 = arith.constant 0 : i32
          %dma_wait3A_92 = tpu.memref_slice %arg4[%mul3A_2, %dma_wait3A_91] : memref<320000x128xf32, #tpu.memory_space<hbm>> -> memref<80x128xf32, #tpu.memory_space<hbm>>
          %dma_wait3A_93 = arith.constant 0 : i32
          %dma_wait3A_94 = tpu.memref_slice %arg4[%mul3A_2, %dma_wait3A_93] : memref<320000x128xf32, #tpu.memory_space<hbm>> -> memref<80x128xf32, #tpu.memory_space<hbm>>
          tpu.wait_dma2 semaphore(%arg11 : memref<!tpu.dma_semaphore, #tpu.memory_space<semaphore_mem>>) src(%arg7 : memref<80x128xf32, #tpu.memory_space<vmem>>) dst(%dma_wait3A_94 : memref<80x128xf32, #tpu.memory_space<hbm>>)
        } else {
        }
        %add3A_83 = arith.constant 1 : i32
        %add3A_84 = arith.addi %add3A_59, %add3A_83 : i32
        %mul3A_85 = arith.constant 80 : i32
        %mul3A_86 = arith.muli %add3A_84, %mul3A_85 : i32
        %dma_start3A_87 = tpu.memref_slice %arg6[%mul3A_86] : memref<10000xi32, #tpu.memory_space<vmem>> -> memref<80xi32, #tpu.memory_space<vmem>>
        %dma_start3A_88 = arith.constant 0 : i32
        %dma_start3A_89 = arith.constant 0 : i32
        %dma_start3A_90 = tpu.memref_slice %arg5[%dma_start3A_88, %dma_start3A_89] : memref<10000x128xf32, #tpu.memory_space<vmem_shared>> -> memref<10000x128xf32, #tpu.memory_space<vmem_shared>>
        tpu.enqueue_indirect_dma source(%dma_start3A_90 : memref<10000x128xf32, #tpu.memory_space<vmem_shared>>) target(%arg7 : memref<80x128xf32, #tpu.memory_space<vmem>>) offsets(%dma_start3A_87 : memref<80xi32, #tpu.memory_space<vmem>>) semaphore(%arg9 : memref<!tpu.dma_semaphore, #tpu.memory_space<semaphore_mem>>)
      } else {
      }
      %dma_wait3A_67 = arith.constant 0 : i32
      %dma_wait3A_68 = tpu.memref_slice %arg6[%dma_wait3A_67] : memref<10000xi32, #tpu.memory_space<vmem>> -> memref<80xi32, #tpu.memory_space<vmem>>
      %dma_wait3A_69 = arith.constant 0 : i32
      %dma_wait3A_70 = arith.constant 0 : i32
      %dma_wait3A_71 = tpu.memref_slice %arg5[%dma_wait3A_69, %dma_wait3A_70] : memref<10000x128xf32, #tpu.memory_space<vmem_shared>> -> memref<10000x128xf32, #tpu.memory_space<vmem_shared>>
      tpu.wait_indirect_dma semaphore(%arg10 : memref<!tpu.dma_semaphore, #tpu.memory_space<semaphore_mem>>) src(%dma_wait3A_71 : memref<10000x128xf32, #tpu.memory_space<vmem_shared>>) dst(%arg8 : memref<80x128xf32, #tpu.memory_space<vmem>>)
      %mul3A_72 = arith.constant 80 : i32
      %mul3A_73 = arith.muli %add3A_59, %mul3A_72 : i32
      %add3A_74 = arith.addi %mul3A_2, %mul3A_73 : i32
      %dma_start3A_75 = arith.constant 0 : i32
      %dma_start3A_76 = tpu.memref_slice %arg4[%add3A_74, %dma_start3A_75] : memref<320000x128xf32, #tpu.memory_space<hbm>> -> memref<80x128xf32, #tpu.memory_space<hbm>>
      %dma_start3A_77 = arith.constant 0 : i32
      %dma_start3A_78 = tpu.memref_slice %arg4[%add3A_74, %dma_start3A_77] : memref<320000x128xf32, #tpu.memory_space<hbm>> -> memref<80x128xf32, #tpu.memory_space<hbm>>
      tpu.enqueue_dma source(%arg8 : memref<80x128xf32, #tpu.memory_space<vmem>>) target(%dma_start3A_78 : memref<80x128xf32, #tpu.memory_space<hbm>>) target_semaphore(%arg12 : memref<!tpu.dma_semaphore, #tpu.memory_space<semaphore_mem>>)
    }
    %scan3A_13 = arith.constant 62 : i32
    %dma_wait3A = arith.constant 0 : i32
    %dma_wait3A_14 = tpu.memref_slice %arg6[%dma_wait3A] : memref<10000xi32, #tpu.memory_space<vmem>> -> memref<80xi32, #tpu.memory_space<vmem>>
    %dma_wait3A_15 = arith.constant 0 : i32
    %dma_wait3A_16 = arith.constant 0 : i32
    %dma_wait3A_17 = tpu.memref_slice %arg5[%dma_wait3A_15, %dma_wait3A_16] : memref<10000x128xf32, #tpu.memory_space<vmem_shared>> -> memref<10000x128xf32, #tpu.memory_space<vmem_shared>>
    tpu.wait_indirect_dma semaphore(%arg9 : memref<!tpu.dma_semaphore, #tpu.memory_space<semaphore_mem>>) src(%dma_wait3A_17 : memref<10000x128xf32, #tpu.memory_space<vmem_shared>>) dst(%arg7 : memref<80x128xf32, #tpu.memory_space<vmem>>)
    %add3A_18 = arith.constant 9920 : i32
    %add3A_19 = arith.addi %mul3A_2, %add3A_18 : i32
    %dma_start3A_20 = arith.constant 0 : i32
    %dma_start3A_21 = tpu.memref_slice %arg4[%add3A_19, %dma_start3A_20] : memref<320000x128xf32, #tpu.memory_space<hbm>> -> memref<80x128xf32, #tpu.memory_space<hbm>>
    %dma_start3A_22 = arith.constant 0 : i32
    %dma_start3A_23 = tpu.memref_slice %arg4[%add3A_19, %dma_start3A_22] : memref<320000x128xf32, #tpu.memory_space<hbm>> -> memref<80x128xf32, #tpu.memory_space<hbm>>
    tpu.enqueue_dma source(%arg7 : memref<80x128xf32, #tpu.memory_space<vmem>>) target(%dma_start3A_23 : memref<80x128xf32, #tpu.memory_space<hbm>>) target_semaphore(%arg11 : memref<!tpu.dma_semaphore, #tpu.memory_space<semaphore_mem>>)
    %dma_wait3A_24 = arith.constant 0 : i32
    %dma_wait3A_25 = tpu.memref_slice %arg4[%mul3A_2, %dma_wait3A_24] : memref<320000x128xf32, #tpu.memory_space<hbm>> -> memref<80x128xf32, #tpu.memory_space<hbm>>
    %dma_wait3A_26 = arith.constant 0 : i32
    %dma_wait3A_27 = tpu.memref_slice %arg4[%mul3A_2, %dma_wait3A_26] : memref<320000x128xf32, #tpu.memory_space<hbm>> -> memref<80x128xf32, #tpu.memory_space<hbm>>
    tpu.wait_dma2 semaphore(%arg12 : memref<!tpu.dma_semaphore, #tpu.memory_space<semaphore_mem>>) src(%arg8 : memref<80x128xf32, #tpu.memory_space<vmem>>) dst(%dma_wait3A_27 : memref<80x128xf32, #tpu.memory_space<hbm>>)
    %dma_wait3A_28 = arith.constant 0 : i32
    %dma_wait3A_29 = tpu.memref_slice %arg4[%mul3A_2, %dma_wait3A_28] : memref<320000x128xf32, #tpu.memory_space<hbm>> -> memref<80x128xf32, #tpu.memory_space<hbm>>
    %dma_wait3A_30 = arith.constant 0 : i32
    %dma_wait3A_31 = tpu.memref_slice %arg4[%mul3A_2, %dma_wait3A_30] : memref<320000x128xf32, #tpu.memory_space<hbm>> -> memref<80x128xf32, #tpu.memory_space<hbm>>
    tpu.wait_dma2 semaphore(%arg11 : memref<!tpu.dma_semaphore, #tpu.memory_space<semaphore_mem>>) src(%arg7 : memref<80x128xf32, #tpu.memory_space<vmem>>) dst(%dma_wait3A_31 : memref<80x128xf32, #tpu.memory_space<hbm>>)
    return
  }
}

</mosaic_0001>

<sc_bundles>
// kernel: _gather.3.cloned.1.call-start
scs
__scs_entry_jumppad:
0x0: {  	(pc) =	sbr.rel $0x88, $3  }
0x1: {  	(tag) =	ssettag $0x0;
	lr =	simm.s32 $0x1  }
0x2: {  	[smem:$0x3F9F] =	sst lr;
	_ =	strace $0xD0000000  }
0x3: {  	_ = 	snop  }
0x4: {  	_ = 	snop  }
0x5: {  	_ = 	snop  }
0x6: {  	_ = 	snop  }
0x7: {  	_ = 	snop  }
__scs_overlays_trampoline_lowered:
0x8: {  	[smem:$0x3FAE] =	sst s0  }
0x9: {  	[smem:$0x3FAF] =	sst s1  }
0xa: {  	[smem:$0x3FB0] =	sst s2  }
0xb: {  	[smem:$0x3FB1] =	sst s3  }
0xc: {  	[smem:$0x3FB2] =	sst s4  }
0xd: {  	[smem:$0x3FB3] =	sst s5  }
0xe: {  	[smem:$0x3FB4] =	sst s6  }
0xf: {  	[smem:$0x3FB5] =	sst s7  }
0x10: {  	[smem:$0x3FB6] =	sst s8  }
0x11: {  	[smem:$0x3FB7] =	sst s9;
	s0 =	simm.s32 @!p0 $0x0  }
0x12: {  	s1 =	sld [smem:$0x3F9D];
	s0 =	simm.s32 @p0 $0x1  }
0x13: {  	[smem:$0x3FB8] =	sst s0;
	s0 =	simm.s32 @!p1 $0x0  }
0x14: {  	s2 =	sld [smem:$0x3F9C];
	s0 =	simm.s32 @p1 $0x1  }
0x15: {  	[smem:$0x3FB9] =	sst s0;
	s0 =	simm.s32 @!p2 $0x0  }
0x16: {  	s3 =	sld [smem:$0x3FDB];
	s0 =	simm.s32 @p2 $0x1  }
0x17: {  	s4 =	simm.s32 $0x1BF5;
	[smem:$0x3FBB] =	sst s0  }
0x18: {  	s0 =	sld [smem:$0x3F9E];
	_ =	swait.ge [sflag:s4], $0x0  }
0x19: {  	s7 =	sld [smem:$0x3F9F]  }
0x1a: {  	s8 =	sadd.s32 $0xFFFFE003, lr  }
0x1b: {  	s9 =	sadd.s32 $0xFFFFFEF7, lr;
	s5 =	simm.s32 $0xFFFFFFFF;
	p2 =	slt.u32 s8, $0xFFFFF086  }
0x1c: {  	p1 =	slt.u32 s9, $0xF7A;
	s5 =	simm.s32 @!p2 $0x0  }
0x1d: {  	s5 =	simm.s32 @p1 $0x1;
	p0 =	seq.s32 s7, s2  }
0x1e: {  	s7 =	smul.u32 @!p0 $0xF7A, s2;
	p2 =	seq.s32 @!p0 s5, $0x0  }
0x1f: {  	s9 =	smul.u32 $0xF7A, s1;
	s8 =	simm.s32 @!p0 $0x1BF5;
	p2 =	por !p2, p0  }
0x20: {  	[sflag:s8] =	ssyncset.s32 @!p0 $0xFFFFF086;
	s6 =	sadd.s32 @!p0 s3, s7;
	s7 =	simm.s32 @!p0 $0x108  }
0x21: {  	s3 =	sadd.s32 s3, s9;
	s6 =	sadd.s32 @!p0 $0x88, s6;
	s7 =	simm.s32 @p2 $0x1082  }
0x22: {  	[simem:s7], [sflag:s8] =	dma.local @!p0 [hbm:s6], $0xF7A  }
0x23: {  	s9 =	sor.u32 $0xD0000000, s2;
	s6 =	simm.s32 $0x108;
	_ =	swait.ge @!p0 [sflag:s8], $0x0  }
0x24: {  	s3 =	sadd.s32 $0x88, s3;
	s6 =	simm.s32 @!p1 $0x1082;
	[sflag:s4] =	ssyncset.s32 $0xFFFFF086  }
0x25: {  	[simem:s6], [sflag:s4] =	dma.local [hbm:s3], $0xF7A  }
0x26: {  	[smem:$0x3F9F] =	sst s1;
	(tag) =	ssettag s2;
	_ =	strace s9  }
0x27: {  	s1 =	sld [smem:$0x3FAF]  }
0x28: {  	s2 =	sld [smem:$0x3FB0]  }
0x29: {  	s4 =	sld [smem:$0x3FB2]  }
0x2a: {  	p0 =	seq.s32 s5, $0x0;
	s5 =	sld [smem:$0x3FB3]  }
0x2b: {  	s6 =	sld [smem:$0x3FB4]  }
0x2c: {  	s7 =	sld [smem:$0x3FB5]  }
0x2d: {  	s3 =	simm.s32 $0x108;
	s8 =	sld [smem:$0x3FB6]  }
0x2e: {  	s3 =	simm.s32 @!p0 $0x1082;
	s9 =	sld [smem:$0x3FB7]  }
0x2f: {  	lr =	sadd.s32 s0, s3;
	s0 =	sld [smem:$0x3FAE]  }
0x30: {  	s3 =	sld [smem:$0x3FB1]  }
0x31: {  	[smem:$0x3FBA] =	sst s10  }
0x32: {  	s10 =	sld [smem:$0x3FB8];
	_ =	sdelay $0x3  }
0x33: {  	p0 =	seq.s32 s10, $0x1;
	s10 =	sld [smem:$0x3FBA];
	_ =	sdelay $0x3  }
0x34: {  	[smem:$0x3FBA] =	sst s10  }
0x35: {  	s10 =	sld [smem:$0x3FB9];
	_ =	sdelay $0x3  }
0x36: {  	p1 =	seq.s32 s10, $0x1;
	s10 =	sld [smem:$0x3FBA];
	_ =	sdelay $0x3  }
0x37: {  	[smem:$0x3FBA] =	sst s10  }
0x38: {  	s10 =	sld [smem:$0x3FBB]  }
0x39: {  	_ = 	snop;
	(pc) =	sbr.ind lr, $3  }
0x3a: {  	_ = 	snop  }
0x3b: {  	_ = 	snop  }
0x3c: {  	p2 =	seq.s32 s10, $0x1;
	s10 =	sld [smem:$0x3FBA]  }
0x3d: {  	_ =	shalt  }
0x3e: {  	_ =	shalt  }
0x3f: {  	_ =	shalt  }
0x40: {  	_ =	shalt  }
0x41: {  	_ =	shalt  }
0x42: {  	_ =	shalt  }
0x43: {  	_ =	shalt  }
0x44: {  	_ =	shalt  }
0x45: {  	_ =	shalt  }
0x46: {  	_ =	shalt  }
0x47: {  	_ =	shalt  }
0x48: {  	_ =	shalt  }
0x49: {  	_ =	shalt  }
0x4a: {  	_ =	shalt  }
0x4b: {  	_ =	shalt  }
0x4c: {  	_ =	shalt  }
0x4d: {  	_ =	shalt  }
0x4e: {  	_ =	shalt  }
0x4f: {  	_ =	shalt  }
0x50: {  	_ =	shalt  }
0x51: {  	_ =	shalt  }
0x52: {  	_ =	shalt  }
0x53: {  	_ =	shalt  }
0x54: {  	_ =	shalt  }
0x55: {  	_ =	shalt  }
0x56: {  	_ =	shalt  }
0x57: {  	_ =	shalt  }
0x58: {  	_ =	shalt  }
0x59: {  	_ =	shalt  }
0x5a: {  	_ =	shalt  }
0x5b: {  	_ =	shalt  }
0x5c: {  	_ =	shalt  }
0x5d: {  	_ =	shalt  }
0x5e: {  	_ =	shalt  }
0x5f: {  	_ =	shalt  }
0x60: {  	_ =	shalt  }
0x61: {  	_ =	shalt  }
0x62: {  	_ =	shalt  }
0x63: {  	_ =	shalt  }
0x64: {  	_ =	shalt  }
0x65: {  	_ =	shalt  }
0x66: {  	_ =	shalt  }
0x67: {  	_ =	shalt  }
0x68: {  	_ =	shalt  }
0x69: {  	_ =	shalt  }
0x6a: {  	_ =	shalt  }
0x6b: {  	_ =	shalt  }
0x6c: {  	_ =	shalt  }
0x6d: {  	_ =	shalt  }
0x6e: {  	_ =	shalt  }
0x6f: {  	_ =	shalt  }
0x70: {  	_ =	shalt  }
0x71: {  	_ =	shalt  }
0x72: {  	_ =	shalt  }
0x73: {  	_ =	shalt  }
0x74: {  	_ =	shalt  }
0x75: {  	_ =	shalt  }
0x76: {  	_ =	shalt  }
0x77: {  	_ =	shalt  }
0x78: {  	_ =	shalt  }
0x79: {  	_ =	shalt  }
0x7a: {  	_ =	shalt  }
0x7b: {  	_ =	shalt  }
0x7c: {  	_ =	shalt  }
0x7d: {  	_ =	shalt  }
0x7e: {  	_ =	shalt  }
0x7f: {  	_ =	shalt  }
0x80: {  	_ =	shalt  }
0x81: {  	_ =	shalt  }
0x82: {  	_ =	shalt  }
0x83: {  	_ =	shalt  }
0x84: {  	_ =	shalt  }
0x85: {  	_ =	shalt  }
0x86: {  	_ =	shalt  }
0x87: {  	_ =	shalt  }
.Lfunc_end0:
.L_simem_size_0:
called_computation_lowered:
.L_overlay_start_0:
0x88: {  	s2 =	sld [smem:$0x3FD9]  }
0x89: {  	s3 =	sld [smem:$0x3FFE];
	_ =	sdelay $0x1  }
0x8a: {  	s1 =	srdreg.scid  }
0x8b: {  	s0 =	sand.u32 $0x1, s1  }
0x8c: {  	s18 =	sshll.u32 s0, $0xA;
	s2 =	sadd.s32 s3, s2  }
0x8d: {  	s2 =	sadd.s32 s2, s18  }
0x8e: {  	[smem:$0x3FC6] =	sst s2  }
0x8f: {  	_ = 	snop  }
0x90: {  	s2 =	sld [smem:$0x3FC9]  }
0x91: {  	s19 =	sld [smem:$0x3FC8]  }
0x92: {  	s4 =	sld [smem:$0x3FD0];
	(tm) =	ssettm $0x1  }
0x93: {  	s5 =	sld [smem:$0x3FFB];
	_ =	sdelay $0x3  }
0x94: {  	_ =	strace s5  }
0x95: {  	s5 =	sld [smem:$0x3FFC];
	_ =	sdelay $0x3  }
0x96: {  	_ =	strace s5  }
0x97: {  	s5 =	sld [smem:$0x3FFD];
	_ =	sdelay $0x3  }
0x98: {  	_ =	strace s5  }
0x99: {  	_ =	strace $0x8FFFFFFF  }
0x9a: {  	s20 =	sld [smem:$0x3FDB];
	_ =	sdelay $0x1  }
0x9b: {  	s6 =	simm.s32 $_scs_section_size  }
0x9c: {  	s7 =	simm.s32 $_size__tile_overlayer_lowered;
	s8 =	simm.s32 $_tile_overlayer_lowered  }
0x9d: {  	s23 =	simm.s32 $0x1BFF;
	s22 =	sshll.u32 s8, $0x1;
	s5 =	sadd.s32 s6, s20  }
0x9e: {  	s9 =	simm.s32 $0x0;
	s21 =	sshll.u32 s7, $0x1;
	s7 =	sadd.s32 s22, s5  }
0x9f: {  	[timem:s9], [sflag:s23] =	dma.local [hbm:s7], s21  }
0xa0: {  	_ =	swait.ge [sflag:s23], s21  }
0xa1: {  	s6 =	ssub.s32 $0x0, s21;
	[sflag:s23] =	ssyncset.done $0x0  }
0xa2: {  	[sflag:s23] =	ssyncadd.s32 s6;
	_ =	sdelay $0x1  }
0xa3: {  	s24 =	simm.s32 $0x1B8B  }
0xa4: {  	_ =	swait.ge [sflag:s24], $0x1  }
0xa5: {  	[sflag:s24] =	ssyncset.done $0x0  }
0xa6: {  	s25 =	simm.s32 $0x1B8E;
	[sflag:s24] =	ssyncadd.s32 $0xFFFFFFFF  }
0xa7: {  	s26 =	simm.s32 $execute0_lowered;
	[smem:$0x3FD2] =	sst s25  }
0xa8: {  	s6 =	sshll.u32 s26, $0x1;
	_ =	strace $0x80000046;
	[dreg:$0x1] =	wrdreg $0xFFFFFFFF  }
0xa9: {  	s28 =	simm.s32 $_size_execute0_lowered;
	s5 =	sadd.s32 s5, s6;
	[dreg:$0x0] =	wrdreg $0x0  }
0xaa: {  	s6 =	sshll.u32 s28, $0x1;
	[dreg:$0x2] =	wrdreg s5  }
0xab: {  	[dreg:$0x3] =	wrdreg s6  }
0xac: {  	[dreg:$0x4] =	wrdreg $0xC0  }
0xad: {  	_ =	task [dreg:s9], $0x5FFFF  }
0xae: {  	[dreg:$0x1] =	wrdreg $0xFFFFFFFF  }
0xaf: {  	[dreg:$0x0] =	wrdreg $0x60  }
0xb0: {  	[dreg:$0x2] =	wrdreg s2  }
0xb1: {  	[dreg:$0x3] =	wrdreg s19  }
0xb2: {  	[dreg:$0x4] =	wrdreg s4  }
0xb3: {  	[dreg:$0x5] =	wrdreg $0x0  }
0xb4: {  	[dreg:$0x6] =	wrdreg $0x9  }
0xb5: {  	_ =	task.clear_ibuf [dreg:s9], $0x7FFFF;
	_ =	strace $0x90000046  }
0xb6: {  	s29 =	simm.s32 $0x9;
	_ =	strace $0x80000048  }
0xb7: {  	_ =	swait.ge [sflag:s29], $0x1  }
0xb8: {  	[sflag:s29] =	ssyncadd.s32 $0xFFFFFFFF  }
0xb9: {  	_ =	strace $0x90000048  }
0xba: {  	_ =	sfence  }
0xbb: {  	s30 =	sld [smem:$0x0];
	_ =	sdelay $0x2  }
0xbc: {  	s31 =	sshll.u32 s1, $0xD;
	s1 =	sshrl.u32 s1, $0x2  }
0xbd: {  	s3 =	sand.u32 $0x4000, s31;
	s1 =	sadd.s32 s1, s30  }
0xbe: {  	s0 =	sor.u32 s3, s0;
	s1 =	sshll.u32 s1, $0x11  }
0xbf: {  	s0 =	sor.u32 s1, s0  }
0xc0: {  	s0 =	sadd.s32 $0x8F2B, s0  }
0xc1: {  	[sflag:s0] =	ssyncadd.remote.s32 $0x1  }
0xc2: {  	_ =	sfence.sel $0xFFFF  }
0xc3: {  	[dreg:$0x0] =	wrdreg $0xFFFFFFFF;
	(pc) =	sbr.abs _section_cstart, $3  }
0xc4: {  	[dreg:$0x1] =	wrdreg $0xFFFFFFFF  }
0xc5: {  	_ =	task.clear_ibuf [dreg:s9], $0x2FFFF;
	_ =	strace $0x9FFFFFFF  }
0xc6: {  	(tm) =	ssettm $0x7FFFFFFF  }
0xc7: {  	_ =	shalt  }
tec
execute0_lowered:
.L_overlay_start_1:
0x0: {  	(tag) =	ssettag $0x1  }
0x1: {  	s4 =	rddreg [dreg:$0x0]  }
0x2: {  	s5 =	rddreg [dreg:$0x1]  }
0x3: {  	s1 =	srdreg.scid;
	s10 =	rddreg [dreg:$0x2]  }
0x4: {  	s0 =	stileid.u32;
	s2 =	rddreg [dreg:$0x3];
	s3 =	simm.s32 $0x0  }
0x5: {  	s15 =	simm.s32 $0x50;
	s16 =	simm.s32 $0x16000;
	s17 =	simm.s32 $0x138D0  }
0x6: {  	s18 =	simm.s32 $0x18800;
	s19 =	simm.s32 $0x1;
	s20 =	simm.s32 $0x3  }
0x7: {  	s21 =	simm.s32 $0x13920;
	s22 =	simm.s32 $0x2;
	s8 =	smul.u32 $0x271000, s0  }
0x8: {  	s23 =	simm.s32 $0x4;
	s24 =	simm.s32 $0x0;
	s12 =	smul.u32 $0x13880, s0  }
0x9: {  	s9 =	sand.u32 $0x1, s1;
	s25 =	sshll.u32 s0, $0x1;
	s30 =	smul.u32 $0x4E200, s0  }
0xa: {  	s1 =	rddreg [dreg:$0x4];
	s6 =	sor.u32 s9, s25;
	s31 =	smul.u32 $0x27100, s9  }
0xb: {  	[smem:$0x7FF] =	sst s3;
	p0 =	sgt.u32 s0, $0x1;
	s7 =	smul.u32 $0x2710, s6  }
0xc: {  	s11 =	ssub.s32 $0x2, s9;
	_ =	strace $0x80000047;
	s14 =	smul.u32 $0x138800, s6  }
0xd: {  	s13 =	sshrl.u32 s11, $0x1;
	s8 =	sshrl.u32 s8, $0x2;
	s29 =	smul.u32 $0x27100, s6  }
0xe: {  	s4 =	sadd.s32 s4, s12;
	s11 =	ssub.s32 s11, s13;
	s13 =	sadd.s32 s8, s2  }
0xf: {  	s7 =	sshrl.u32 s7, $0x3;
	s26 =	sshrl.u32 s14, $0x3;
	s8 =	sadd.s32 s10, s29  }
0x10: {  	s12 =	sshrl.u32 @!p0 s13, $0x3;
	s13 =	simm.s32 $0x13880;
	s14 =	simm.s32 $0x5  }
0x11: {  	s5 =	sadd.s32 s5, s7;
	s28 =	sadd.s32 s10, s26;
	s7 =	smax.u32 s11, $0x1  }
0x12: {  	s9 =	sadd.s32 $0x500, s8;
	s10 =	sadd.s32 s30, s10;
	s11 =	sshll.u32 @!p0 s0, $0x6  }
0x13: {  	s6 =	sadd.s32 $0x26C00, s28;
	s10 =	sadd.s32 s31, s10;
	s11 =	sor.u32 @!p0 $0x1C05, s11  }
.LBB2_1:
0x14: {  	[spmem:s12], [sflag:s11] =	dma.local @!p0 [hbm:s4], $0x13880  }
0x15: {  	s25 =	simm.s32 @!p0 $0x5  }
0x16: {  	_ =	swait.ge @!p0 [sflag:s25], $0x13880  }
0x17: {  	[sflag:s25] =	ssyncset.done @!p0 $0x0  }
0x18: {  	[sflag:s25] =	ssyncadd.s32 @!p0 $0xFFFEC780  }
0x19: {  	[tilespmem:s13], [sflag:$0x5] =	stream.linear.gather [hbm4b:s5+s3], $0x2710, $0x38;
	[tilespmem:$0x1B000] =	vst v63  }
0x1a: {  	_ =	swait.ge [sflag:s14], $0x2710  }
0x1b: {  	[sflag:s14] =	ssyncset.done $0x0  }
0x1c: {  	[sflag:s14] =	ssyncadd.s32 $0xFFFFD8F0  }
0x1d: {  	[bflag:$0x0] =	sbarrier.arrive $0xFFFF  }
0x1e: {  	[tilespmem:s16], [sflag:$0x1] =	stream.indirect.gather [spmem:s2], $0x80, s13, s15, $0xb8;
	[tilespmem:$0x1B000] =	vst v63  }
0x1f: {  	_ = 	snop  }
0x20: {  	[tilespmem:s18], [sflag:$0x2] =	stream.indirect.gather [spmem:s2], $0x80, s17, s15, $0xb8;
	[tilespmem:$0x1B000] =	vst v63  }
0x21: {  	_ =	swait.ge [sflag:s19], $0x2800  }
0x22: {  	[sflag:s19] =	ssyncset.done $0x0  }
0x23: {  	[sflag:s19] =	ssyncadd.s32 $0xFFFFD800  }
0x24: {  	[hbm4b:s8+s3] =	stream.linear.scatter [tilespmem:s16], [sflag:$0x3], $0x2800, $0x38;
	[tilespmem:$0x1B000] =	vst v63  }
0x25: {  	_ =	swait.ge [sflag:s20], $0x2800  }
0x26: {  	[sflag:s20] =	ssyncset.done $0x0  }
0x27: {  	[sflag:s20] =	ssyncadd.s32 $0xFFFFD800  }
0x28: {  	[tilespmem:s16], [sflag:$0x1] =	stream.indirect.gather [spmem:s2], $0x80, s21, s15, $0xb8;
	[tilespmem:$0x1B000] =	vst v63  }
0x29: {  	_ =	swait.ge [sflag:s22], $0x2800  }
0x2a: {  	[sflag:s22] =	ssyncset.done $0x0  }
0x2b: {  	[sflag:s22] =	ssyncadd.s32 $0xFFFFD800  }
0x2c: {  	[hbm4b:s9+s3] =	stream.linear.scatter [tilespmem:s18], [sflag:$0x4], $0x2800, $0x38;
	[tilespmem:$0x1B000] =	vst v63  }
0x2d: {  	_ =	swait.ge [sflag:s23], $0x2800  }
0x2e: {  	[sflag:s23] =	ssyncset.done $0x0  }
0x2f: {  	s29 =	simm.s32 $0x13970;
	[sflag:s23] =	ssyncadd.s32 $0xFFFFD800  }
0x30: {  	[tilespmem:s18], [sflag:$0x2] =	stream.indirect.gather [spmem:s2], $0x80, s29, s15, $0xb8;
	[tilespmem:$0x1B000] =	vst v63  }
0x31: {  	_ =	swait.ge [sflag:s19], $0x2800  }
0x32: {  	s26 =	sadd.s32 $0x0, s10;
	[sflag:s19] =	ssyncset.done $0x0  }
0x33: {  	s30 =	sadd.s32 $0xA00, s26;
	[sflag:s19] =	ssyncadd.s32 $0xFFFFD800  }
0x34: {  	[hbm4b:s30+s3] =	stream.linear.scatter [tilespmem:s16], [sflag:$0x3], $0x2800, $0x38;
	[tilespmem:$0x1B000] =	vst v63  }
0x35: {  	_ =	swait.ge [sflag:s20], $0x2800  }
0x36: {  	[sflag:s20] =	ssyncset.done $0x0  }
0x37: {  	s31 =	simm.s32 $0x139C0;
	[sflag:s20] =	ssyncadd.s32 $0xFFFFD800  }
0x38: {  	[tilespmem:s16], [sflag:$0x1] =	stream.indirect.gather [spmem:s2], $0x80, s31, s15, $0xb8;
	[tilespmem:$0x1B000] =	vst v63  }
0x39: {  	_ =	swait.ge [sflag:s22], $0x2800  }
0x3a: {  	s28 =	sadd.s32 $0xF00, s26;
	[sflag:s22] =	ssyncset.done $0x0  }
0x3b: {  	s26 =	simm.s32 $0x13A10;
	s25 =	simm.s32 $0xA00;
	[sflag:s22] =	ssyncadd.s32 $0xFFFFD800  }
.LBB2_2:
0x3c: {  	[hbm4b:s28+s3] =	stream.linear.scatter [tilespmem:s18], [sflag:$0x4], $0x2800, $0x38;
	[tilespmem:$0x1B000] =	vst v63  }
0x3d: {  	s28 =	smov.u32 s25  }
0x3e: {  	p1 =	sne.s32 s25, $0x25800;
	s25 =	sadd.s32 $0xA00, s25;
	_ =	swait.ge [sflag:s23], $0x2800  }
0x3f: {  	[sflag:s23] =	ssyncset.done $0x0  }
0x40: {  	[sflag:s23] =	ssyncadd.s32 $0xFFFFD800  }
0x41: {  	[tilespmem:s18], [sflag:$0x2] =	stream.indirect.gather [spmem:s2], $0x80, s26, s15, $0xb8;
	[tilespmem:$0x1B000] =	vst v63  }
0x42: {  	_ =	swait.ge [sflag:s19], $0x2800  }
0x43: {  	s28 =	sadd.s32 s28, s10;
	[sflag:s19] =	ssyncset.done $0x0  }
0x44: {  	s29 =	sadd.s32 $0xA00, s28;
	[sflag:s19] =	ssyncadd.s32 $0xFFFFD800  }
0x45: {  	[hbm4b:s29+s3] =	stream.linear.scatter [tilespmem:s16], [sflag:$0x3], $0x2800, $0x38;
	[tilespmem:$0x1B000] =	vst v63  }
0x46: {  	_ =	swait.ge [sflag:s20], $0x2800  }
0x47: {  	[sflag:s20] =	ssyncset.done $0x0  }
.Ltmp0:
0x48: {  	s29 =	sadd.s32 $0x50, s26;
	[sflag:s20] =	ssyncadd.s32 $0xFFFFD800;
	(pc) =	sbr.rel @p1 .LBB2_2-.Ltmp0, $4  }
0x49: {  	[tilespmem:s16], [sflag:$0x1] =	stream.indirect.gather [spmem:s2], $0x80, s29, s15, $0xb8;
	[tilespmem:$0x1B000] =	vst v63  }
0x4a: {  	_ =	swait.ge [sflag:s22], $0x2800  }
0x4b: {  	[sflag:s22] =	ssyncset.done $0x0  }
0x4c: {  	s28 =	sadd.s32 $0xF00, s28;
	s26 =	sadd.s32 $0xA0, s26;
	[sflag:s22] =	ssyncadd.s32 $0xFFFFD800  }
0x4d: {  	[hbm4b:s28+s3] =	stream.linear.scatter [tilespmem:s18], [sflag:$0x4], $0x2800, $0x38;
	[tilespmem:$0x1B000] =	vst v63  }
0x4e: {  	_ =	swait.ge [sflag:s19], $0x2800  }
0x4f: {  	[sflag:s19] =	ssyncset.done $0x0  }
0x50: {  	s24 =	sadd.s32 $0x1, s24;
	[sflag:s19] =	ssyncadd.s32 $0xFFFFD800  }
0x51: {  	[hbm4b:s6+s3] =	stream.linear.scatter [tilespmem:s16], [sflag:$0x3], $0x2800, $0x38;
	[tilespmem:$0x1B000] =	vst v63  }
0x52: {  	p1 =	sne.s32 s24, s7;
	_ =	swait.ge [sflag:s23], $0x2800  }
.Ltmp1:
0x53: {  	[sflag:s23] =	ssyncset.done $0x0;
	(pc) =	sbr.rel @p1 .LBB2_1-.Ltmp1, $4  }
0x54: {  	[sflag:s23] =	ssyncadd.s32 $0xFFFFD800  }
0x55: {  	_ =	swait.ge [sflag:s20], $0x2800  }
0x56: {  	[sflag:s20] =	ssyncset.done $0x0  }
0x57: {  	[sflag:s20] =	ssyncadd.s32 $0xFFFFD800  }
0x58: {  	_ =	sfence.sel $0x180000  }
0x59: {  	[bflag:$0x0] =	sbarrier.arrive $0xFFFF  }
0x5a: {  	p0 =	sne.s32 s0, $0x0;
	_ =	strace $0x90000047  }
0x5b: {  	s0 =	sadd.s32 @!p0 $0x100000, s1;
	[bflag:$0x2] =	sbarrier.arrive $0xFFFF  }
0x5c: {  	[sflag:s0] =	ssyncadd.tile.s32 @!p0 $0x1;
	_ =	shalt  }
.Lfunc_end2:
_tile_overlayer_lowered:
.L_overlay_start_2:
0x5d: {  	(tag) =	ssettag $0x2  }
0x5e: {  	s0 =	rddreg [dreg:$0x0];
	s2 =	stileid.u32  }
0x5f: {  	s1 =	rddreg [dreg:$0x1];
	p0 =	sne.s32 s2, $0x0  }
0x60: {  	s3 =	rddreg [dreg:$0x2];
	[bflag:$0x3] =	sbarrier.arrive $0xFFFF;
	s2 =	simm.s32 @!p0 $0x1C05  }
0x61: {  	[timem:s3], [sflag:s2] =	dma.local @!p0 [hbm:s0], s1  }
0x62: {  	s0 =	simm.s32 @!p0 $0x5  }
0x63: {  	_ =	swait.ge @!p0 [sflag:s0], s1  }
0x64: {  	s1 =	ssub.s32 @!p0 $0x0, s1;
	[sflag:s0] =	ssyncset.done @!p0 $0x0  }
0x65: {  	[sflag:s0] =	ssyncadd.s32 @!p0 s1  }
0x66: {  	[bflag:$0x3] =	sbarrier.arrive $0xFFFF  }
0x67: {  	_ =	shalt  }

</sc_bundles>
